<compile_context>
chip_gen: v7x
topology: tpu7x:2x2x1
jax: 0.10.2.dev20260603
libtpu: 0.0.44.dev20260713+nightly
codegen_flags: <defaults>
</compile_context>

<pallas_src>
import jax
import jax.numpy as jnp
from jax import lax
from jax.experimental import pallas as pl
from jax.experimental.pallas import tpu as pltpu
from jax.experimental.pallas import tpu_sc as plsc

BATCH = 16384
EMB = 64
CDIM = 128
NC = 2
NS = 16
NW = NC * NS
BPW = BATCH // NW
CHUNK = 128
NCHUNK = BPW // CHUNK
NSLOT = 2


def _make_gather_body(width):
    def body(tab, idx_hbm, out, idx_v, buf, sg0, sg1, sw0, sw1):
        sem_g = [sg0, sg1]
        sem_w = [sw0, sw1]
        wid = lax.axis_index("s") * NC + lax.axis_index("c")
        base = wid * BPW
        pltpu.sync_copy(idx_hbm.at[pl.ds(wid * NCHUNK, NCHUNK)], idx_v)
        gh = [None] * NCHUNK
        wh = [None] * NCHUNK

        def start_wb(k):
            return pltpu.async_copy(
                buf.at[k % NSLOT], out.at[pl.ds(base + k * CHUNK, CHUNK)],
                sem_w[k % NSLOT])

        for k in range(NCHUNK):
            if k >= NSLOT:
                wh[k - NSLOT].wait()
            gh[k] = pltpu.async_copy(tab.at[idx_v.at[k]], buf.at[k % NSLOT],
                                     sem_g[k % NSLOT])
            if k >= 1:
                gh[k - 1].wait()
                wh[k - 1] = start_wb(k - 1)
        gh[NCHUNK - 1].wait()
        wh[NCHUNK - 1] = start_wb(NCHUNK - 1)
        for k in range(NCHUNK - NSLOT, NCHUNK):
            wh[k].wait()
    return body


def _make_gather(rows, width):
    mesh = plsc.VectorSubcoreMesh(core_axis_name="c", subcore_axis_name="s")
    return pl.kernel(
        _make_gather_body(width),
        out_type=jax.ShapeDtypeStruct((BATCH, width), jnp.float32),
        mesh=mesh,
        scratch_types=[
            pltpu.VMEM((NCHUNK, CHUNK), jnp.int32),
            pltpu.VMEM((NSLOT, CHUNK, width), jnp.float32),
        ] + [pltpu.SemaphoreType.DMA] * (2 * NSLOT),
        compiler_params=pltpu.CompilerParams(use_tc_tiling_on_sc=False),
    )


@jax.jit
def _sc_gather_u(user_emb, iu):
    return _make_gather(100000, EMB)(user_emb, iu)


@jax.jit
def _sc_gather_c(item_content, ii):
    return _make_gather(100000, CDIM)(item_content, ii)


def _tc_body(u_ref, c_ref, w_ref, b_ref, o_ref):
    meta = lax.dot_general(c_ref[...], w_ref[...],
                           (((1,), (0,)), ((), ())),
                           preferred_element_type=jnp.float32)
    meta = meta + b_ref[...]
    o_ref[...] = jnp.sum(u_ref[...] * meta, axis=1)[None, None, :]


@jax.jit
def _tc_compute(u_g, c_g, Wt5, b5):
    blk = 4096
    grid = BATCH // blk
    out = pl.pallas_call(
        _tc_body,
        grid=(grid,),
        in_specs=[
            pl.BlockSpec((blk, EMB), lambda i: (i, 0)),
            pl.BlockSpec((blk, CDIM), lambda i: (i, 0)),
            pl.BlockSpec((CDIM, EMB), lambda i: (0, 0)),
            pl.BlockSpec((1, EMB), lambda i: (0, 0)),
        ],
        out_specs=pl.BlockSpec((1, 1, blk), lambda i: (i, 0, 0)),
        out_shape=jax.ShapeDtypeStruct((grid, 1, blk), jnp.float32),
    )(u_g, c_g, Wt5, b5)
    return out.reshape(BATCH)


def kernel(batch_u, batch_i, user_emb, item_emb, item_content, W, b):
    iu = batch_u.astype(jnp.int32).reshape(BATCH // CHUNK, CHUNK)
    ii = batch_i.astype(jnp.int32).reshape(BATCH // CHUNK, CHUNK)
    c_g = _sc_gather_c(item_content, ii)
    iu, c_g = lax.optimization_barrier((iu, c_g))
    u_g = _sc_gather_u(user_emb, iu)
    Wt5 = W.T / 5.0
    b5 = (b / 5.0).reshape(1, EMB)
    return _tc_compute(u_g, c_g, Wt5, b5)

# --- scband reference (transcript-rebuilt; emitter-appended) ---
"""Pipeline reference for scband-meta-embedding-learner-17076789969477 (READ-ONLY COPY).

The authoritative reference and input builder live on the scoring server;
editing this copy changes nothing except your own understanding.
"""

import jax, jax.numpy as jnp
import numpy as np

NUM_USERS = 100000
NUM_ITEMS = 100000
EMB_SIZE = 64
CONTENT_DIM = 128
BATCH = 16384


def setup_inputs(seed: int = 0) -> dict:
    key = jax.random.key(seed)
    k1, k2, k3, k4, k5, k6, k7 = jax.random.split(key, 7)
    batch_u = jax.random.randint(k1, (BATCH,), 0, NUM_USERS, dtype=jnp.int64 if jax.config.jax_enable_x64 else jnp.int32)
    batch_i = jax.random.randint(k2, (BATCH,), 0, NUM_ITEMS, dtype=jnp.int64 if jax.config.jax_enable_x64 else jnp.int32)
    user_emb = jax.random.normal(k3, (NUM_USERS, EMB_SIZE), dtype=jnp.float32) * 0.1
    item_emb = jax.random.normal(k4, (NUM_ITEMS, EMB_SIZE), dtype=jnp.float32) * 0.1
    item_content = jax.random.normal(k5, (NUM_ITEMS, CONTENT_DIM), dtype=jnp.float32)
    # nn.Linear(content_dim, emb_size): weight [emb, content], bias [emb]
    W = jax.random.normal(k6, (EMB_SIZE, CONTENT_DIM), dtype=jnp.float32) * (1.0 / np.sqrt(CONTENT_DIM))
    b = jax.random.uniform(k7, (EMB_SIZE,), dtype=jnp.float32, minval=-1.0 / np.sqrt(CONTENT_DIM), maxval=1.0 / np.sqrt(CONTENT_DIM))
    return {
        "batch_u": batch_u,
        "batch_i": batch_i,
        "user_emb": user_emb,
        "item_emb": item_emb,
        "item_content": item_content,
        "W": W,
        "b": b,
    }


def reference(batch_u, batch_i, user_emb, item_emb, item_content, W, b):
    # cold_object == 'item', warm_or_cold == 'cold', meta_ID_emb is None
    # get_embeddings_and_info
    user_embs = jnp.take(user_emb, batch_u, axis=0)
    item_embs = jnp.take(item_emb, batch_i, axis=0)  # gathered by original code even in cold path
    item_contents = jnp.take(item_content, batch_i, axis=0)
    # generate_meta_emb: Linear then / 5.0
    meta_ID_emb = (item_contents @ W.T + b) / 5.0
    # get_yhat: elementwise product + row-sum
    cold_yhat_a = jnp.sum(user_embs * meta_ID_emb, axis=1)
    return cold_yhat_a

if __name__ == "__main__":
    import jax
    _d = setup_inputs()
    print(jax.jit(kernel)(*tuple(_d.values())))

</pallas_src>

<mosaic_0001>
#map = affine_map<(d0, d1) -> (0, 0)>
module attributes {stable_mosaic.version = 14 : i64} {
  func.func @body(%arg0: i32, %arg1: i32, %arg2: memref<100000x128xf32, #tpu.memory_space<hbm>>, %arg3: memref<128x128xi32, #tpu.memory_space<hbm>>, %arg4: memref<16384x128xf32, #tpu.memory_space<hbm>>, %arg5: memref<4x128xi32, #tpu.memory_space<vmem>>, %arg6: memref<2x128x128xf32, #tpu.memory_space<vmem>>, %arg7: memref<!tpu.dma_semaphore, #tpu.memory_space<semaphore_mem>>, %arg8: memref<!tpu.dma_semaphore, #tpu.memory_space<semaphore_mem>>, %arg9: memref<!tpu.dma_semaphore, #tpu.memory_space<semaphore_mem>>, %arg10: memref<!tpu.dma_semaphore, #tpu.memory_space<semaphore_mem>>) attributes {dimension_semantics = [#tpu.dimension_semantics<core_parallel>, #tpu.dimension_semantics<subcore_parallel>], iteration_bounds = array<i64: 2, 16>, scalar_prefetch = 0 : i64, scratch_operands = 6 : i64, tpu.core_type = #tpu.core_type<sc_vector_subcore>, window_params = [{transform_indices = #map}, {transform_indices = #map}, {transform_indices = #map}]} {
    %mul3A = arith.constant 2 : i32
    %mul3A_0 = arith.muli %arg1, %mul3A : i32
    %add3A = arith.addi %mul3A_0, %arg0 : i32
    %mul3A_1 = arith.constant 512 : i32
    %mul3A_2 = arith.muli %add3A, %mul3A_1 : i32
    %mul3A_3 = arith.constant 4 : i32
    %mul3A_4 = arith.muli %add3A, %mul3A_3 : i32
    "tpu.region"() ({
      %run_scoped3A = tpu.sem_alloc : memref<!tpu.dma_semaphore, #tpu.memory_space<semaphore_mem>>
      %dma_start3A_211 = arith.constant 0 : i32
      %dma_start3A_212 = tpu.memref_slice %arg3[%mul3A_4, %dma_start3A_211] : memref<128x128xi32, #tpu.memory_space<hbm>> -> memref<4x128xi32, #tpu.memory_space<hbm>>
      %dma_start3A_213 = arith.constant 0 : i32
      %dma_start3A_214 = tpu.memref_slice %arg3[%mul3A_4, %dma_start3A_213] : memref<128x128xi32, #tpu.memory_space<hbm>> -> memref<4x128xi32, #tpu.memory_space<hbm>>
      tpu.enqueue_dma source(%dma_start3A_214 : memref<4x128xi32, #tpu.memory_space<hbm>>) target(%arg5 : memref<4x128xi32, #tpu.memory_space<vmem>>) target_semaphore(%run_scoped3A : memref<!tpu.dma_semaphore, #tpu.memory_space<semaphore_mem>>)
      %dma_wait3A_215 = arith.constant 0 : i32
      %dma_wait3A_216 = tpu.memref_slice %arg3[%mul3A_4, %dma_wait3A_215] : memref<128x128xi32, #tpu.memory_space<hbm>> -> memref<4x128xi32, #tpu.memory_space<hbm>>
      %dma_wait3A_217 = arith.constant 0 : i32
      %dma_wait3A_218 = tpu.memref_slice %arg3[%mul3A_4, %dma_wait3A_217] : memref<128x128xi32, #tpu.memory_space<hbm>> -> memref<4x128xi32, #tpu.memory_space<hbm>>
      tpu.wait_dma2 semaphore(%run_scoped3A : memref<!tpu.dma_semaphore, #tpu.memory_space<semaphore_mem>>) src(%dma_wait3A_218 : memref<4x128xi32, #tpu.memory_space<hbm>>) dst(%arg5 : memref<4x128xi32, #tpu.memory_space<vmem>>)
      tpu.yield
    }) : () -> ()
    %dma_start3A = arith.constant 0 : i32
    %dma_start3A_5 = arith.constant 0 : i32
    %dma_start3A_6 = arith.constant 0 : i32
    %dma_start3A_7 = arith.constant 0 : i32
    %dma_start3A_8 = tpu.memref_slice %arg6[%dma_start3A_5, %dma_start3A_6, %dma_start3A_7] : memref<2x128x128xf32, #tpu.memory_space<vmem>> -> memref<1x128x128xf32, #tpu.memory_space<vmem>>
    %dma_start3A_9 = tpu.memref_squeeze %dma_start3A_8 : memref<1x128x128xf32, #tpu.memory_space<vmem>> -> memref<128x128xf32, #tpu.memory_space<vmem>>
    %dma_start3A_10 = arith.constant 0 : i32
    %dma_start3A_11 = tpu.memref_slice %arg5[%dma_start3A, %dma_start3A_10] : memref<4x128xi32, #tpu.memory_space<vmem>> -> memref<1x128xi32, #tpu.memory_space<vmem>>
    %dma_start3A_12 = tpu.memref_squeeze %dma_start3A_11 : memref<1x128xi32, #tpu.memory_space<vmem>> -> memref<128xi32, #tpu.memory_space<vmem>>
    %dma_start3A_13 = arith.constant 0 : i32
    %dma_start3A_14 = arith.constant 0 : i32
    %dma_start3A_15 = tpu.memref_slice %arg2[%dma_start3A_13, %dma_start3A_14] : memref<100000x128xf32, #tpu.memory_space<hbm>> -> memref<100000x128xf32, #tpu.memory_space<hbm>>
    tpu.enqueue_indirect_dma source(%dma_start3A_15 : memref<100000x128xf32, #tpu.memory_space<hbm>>) target(%dma_start3A_9 : memref<128x128xf32, #tpu.memory_space<vmem>>) offsets(%dma_start3A_12 : memref<128xi32, #tpu.memory_space<vmem>>) semaphore(%arg7 : memref<!tpu.dma_semaphore, #tpu.memory_space<semaphore_mem>>)
    %dma_start3A_16 = arith.constant 1 : i32
    %dma_start3A_17 = arith.constant 1 : i32
    %dma_start3A_18 = arith.constant 0 : i32
    %dma_start3A_19 = arith.constant 0 : i32
    %dma_start3A_20 = tpu.memref_slice %arg6[%dma_start3A_17, %dma_start3A_18, %dma_start3A_19] : memref<2x128x128xf32, #tpu.memory_space<vmem>> -> memref<1x128x128xf32, #tpu.memory_space<vmem>>
    %dma_start3A_21 = tpu.memref_squeeze %dma_start3A_20 : memref<1x128x128xf32, #tpu.memory_space<vmem>> -> memref<128x128xf32, #tpu.memory_space<vmem>>
    %dma_start3A_22 = arith.constant 0 : i32
    %dma_start3A_23 = tpu.memref_slice %arg5[%dma_start3A_16, %dma_start3A_22] : memref<4x128xi32, #tpu.memory_space<vmem>> -> memref<1x128xi32, #tpu.memory_space<vmem>>
    %dma_start3A_24 = tpu.memref_squeeze %dma_start3A_23 : memref<1x128xi32, #tpu.memory_space<vmem>> -> memref<128xi32, #tpu.memory_space<vmem>>
    %dma_start3A_25 = arith.constant 0 : i32
    %dma_start3A_26 = arith.constant 0 : i32
    %dma_start3A_27 = tpu.memref_slice %arg2[%dma_start3A_25, %dma_start3A_26] : memref<100000x128xf32, #tpu.memory_space<hbm>> -> memref<100000x128xf32, #tpu.memory_space<hbm>>
    tpu.enqueue_indirect_dma source(%dma_start3A_27 : memref<100000x128xf32, #tpu.memory_space<hbm>>) target(%dma_start3A_21 : memref<128x128xf32, #tpu.memory_space<vmem>>) offsets(%dma_start3A_24 : memref<128xi32, #tpu.memory_space<vmem>>) semaphore(%arg8 : memref<!tpu.dma_semaphore, #tpu.memory_space<semaphore_mem>>)
    %dma_wait3A = arith.constant 0 : i32
    %dma_wait3A_28 = arith.constant 0 : i32
    %dma_wait3A_29 = arith.constant 0 : i32
    %dma_wait3A_30 = arith.constant 0 : i32
    %dma_wait3A_31 = tpu.memref_slice %arg6[%dma_wait3A_28, %dma_wait3A_29, %dma_wait3A_30] : memref<2x128x128xf32, #tpu.memory_space<vmem>> -> memref<1x128x128xf32, #tpu.memory_space<vmem>>
    %dma_wait3A_32 = tpu.memref_squeeze %dma_wait3A_31 : memref<1x128x128xf32, #tpu.memory_space<vmem>> -> memref<128x128xf32, #tpu.memory_space<vmem>>
    %dma_wait3A_33 = arith.constant 0 : i32
    %dma_wait3A_34 = tpu.memref_slice %arg5[%dma_wait3A, %dma_wait3A_33] : memref<4x128xi32, #tpu.memory_space<vmem>> -> memref<1x128xi32, #tpu.memory_space<vmem>>
    %dma_wait3A_35 = tpu.memref_squeeze %dma_wait3A_34 : memref<1x128xi32, #tpu.memory_space<vmem>> -> memref<128xi32, #tpu.memory_space<vmem>>
    %dma_wait3A_36 = arith.constant 0 : i32
    %dma_wait3A_37 = arith.constant 0 : i32
    %dma_wait3A_38 = tpu.memref_slice %arg2[%dma_wait3A_36, %dma_wait3A_37] : memref<100000x128xf32, #tpu.memory_space<hbm>> -> memref<100000x128xf32, #tpu.memory_space<hbm>>
    tpu.wait_indirect_dma semaphore(%arg7 : memref<!tpu.dma_semaphore, #tpu.memory_space<semaphore_mem>>) src(%dma_wait3A_38 : memref<100000x128xf32, #tpu.memory_space<hbm>>) dst(%dma_wait3A_32 : memref<128x128xf32, #tpu.memory_space<vmem>>)
    %add3A_39 = arith.constant 0 : i32
    %add3A_40 = arith.addi %mul3A_2, %add3A_39 : i32
    %dma_start3A_41 = arith.constant 0 : i32
    %dma_start3A_42 = arith.constant 0 : i32
    %dma_start3A_43 = arith.constant 0 : i32
    %dma_start3A_44 = tpu.memref_slice %arg6[%dma_start3A_41, %dma_start3A_42, %dma_start3A_43] : memref<2x128x128xf32, #tpu.memory_space<vmem>> -> memref<1x128x128xf32, #tpu.memory_space<vmem>>
    %dma_start3A_45 = tpu.memref_squeeze %dma_start3A_44 : memref<1x128x128xf32, #tpu.memory_space<vmem>> -> memref<128x128xf32, #tpu.memory_space<vmem>>
    %dma_start3A_46 = arith.constant 0 : i32
    %dma_start3A_47 = tpu.memref_slice %arg4[%add3A_40, %dma_start3A_46] : memref<16384x128xf32, #tpu.memory_space<hbm>> -> memref<128x128xf32, #tpu.memory_space<hbm>>
    %dma_start3A_48 = arith.constant 0 : i32
    %dma_start3A_49 = tpu.memref_slice %arg4[%add3A_40, %dma_start3A_48] : memref<16384x128xf32, #tpu.memory_space<hbm>> -> memref<128x128xf32, #tpu.memory_space<hbm>>
    %dma_start3A_50 = arith.constant 0 : i32
    %dma_start3A_51 = arith.constant 0 : i32
    %dma_start3A_52 = tpu.memref_slice %arg6[%dma_start3A_41, %dma_start3A_50, %dma_start3A_51] : memref<2x128x128xf32, #tpu.memory_space<vmem>> -> memref<1x128x128xf32, #tpu.memory_space<vmem>>
    %dma_start3A_53 = tpu.memref_squeeze %dma_start3A_52 : memref<1x128x128xf32, #tpu.memory_space<vmem>> -> memref<128x128xf32, #tpu.memory_space<vmem>>
    tpu.enqueue_dma source(%dma_start3A_53 : memref<128x128xf32, #tpu.memory_space<vmem>>) target(%dma_start3A_49 : memref<128x128xf32, #tpu.memory_space<hbm>>) target_semaphore(%arg9 : memref<!tpu.dma_semaphore, #tpu.memory_space<semaphore_mem>>)
    %dma_wait3A_54 = arith.constant 0 : i32
    %dma_wait3A_55 = arith.constant 0 : i32
    %dma_wait3A_56 = arith.constant 0 : i32
    %dma_wait3A_57 = tpu.memref_slice %arg6[%dma_wait3A_54, %dma_wait3A_55, %dma_wait3A_56] : memref<2x128x128xf32, #tpu.memory_space<vmem>> -> memref<1x128x128xf32, #tpu.memory_space<vmem>>
    %dma_wait3A_58 = tpu.memref_squeeze %dma_wait3A_57 : memref<1x128x128xf32, #tpu.memory_space<vmem>> -> memref<128x128xf32, #tpu.memory_space<vmem>>
    %dma_wait3A_59 = arith.constant 0 : i32
    %dma_wait3A_60 = tpu.memref_slice %arg4[%add3A_40, %dma_wait3A_59] : memref<16384x128xf32, #tpu.memory_space<hbm>> -> memref<128x128xf32, #tpu.memory_space<hbm>>
    %dma_wait3A_61 = arith.constant 0 : i32
    %dma_wait3A_62 = tpu.memref_slice %arg4[%add3A_40, %dma_wait3A_61] : memref<16384x128xf32, #tpu.memory_space<hbm>> -> memref<128x128xf32, #tpu.memory_space<hbm>>
    %dma_wait3A_63 = arith.constant 0 : i32
    %dma_wait3A_64 = arith.constant 0 : i32
    %dma_wait3A_65 = tpu.memref_slice %arg6[%dma_wait3A_54, %dma_wait3A_63, %dma_wait3A_64] : memref<2x128x128xf32, #tpu.memory_space<vmem>> -> memref<1x128x128xf32, #tpu.memory_space<vmem>>
    %dma_wait3A_66 = tpu.memref_squeeze %dma_wait3A_65 : memref<1x128x128xf32, #tpu.memory_space<vmem>> -> memref<128x128xf32, #tpu.memory_space<vmem>>
    tpu.wait_dma2 semaphore(%arg9 : memref<!tpu.dma_semaphore, #tpu.memory_space<semaphore_mem>>) src(%dma_wait3A_66 : memref<128x128xf32, #tpu.memory_space<vmem>>) dst(%dma_wait3A_62 : memref<128x128xf32, #tpu.memory_space<hbm>>)
    %dma_start3A_67 = arith.constant 2 : i32
    %dma_start3A_68 = arith.constant 0 : i32
    %dma_start3A_69 = arith.constant 0 : i32
    %dma_start3A_70 = arith.constant 0 : i32
    %dma_start3A_71 = tpu.memref_slice %arg6[%dma_start3A_68, %dma_start3A_69, %dma_start3A_70] : memref<2x128x128xf32, #tpu.memory_space<vmem>> -> memref<1x128x128xf32, #tpu.memory_space<vmem>>
    %dma_start3A_72 = tpu.memref_squeeze %dma_start3A_71 : memref<1x128x128xf32, #tpu.memory_space<vmem>> -> memref<128x128xf32, #tpu.memory_space<vmem>>
    %dma_start3A_73 = arith.constant 0 : i32
    %dma_start3A_74 = tpu.memref_slice %arg5[%dma_start3A_67, %dma_start3A_73] : memref<4x128xi32, #tpu.memory_space<vmem>> -> memref<1x128xi32, #tpu.memory_space<vmem>>
    %dma_start3A_75 = tpu.memref_squeeze %dma_start3A_74 : memref<1x128xi32, #tpu.memory_space<vmem>> -> memref<128xi32, #tpu.memory_space<vmem>>
    %dma_start3A_76 = arith.constant 0 : i32
    %dma_start3A_77 = arith.constant 0 : i32
    %dma_start3A_78 = tpu.memref_slice %arg2[%dma_start3A_76, %dma_start3A_77] : memref<100000x128xf32, #tpu.memory_space<hbm>> -> memref<100000x128xf32, #tpu.memory_space<hbm>>
    tpu.enqueue_indirect_dma source(%dma_start3A_78 : memref<100000x128xf32, #tpu.memory_space<hbm>>) target(%dma_start3A_72 : memref<128x128xf32, #tpu.memory_space<vmem>>) offsets(%dma_start3A_75 : memref<128xi32, #tpu.memory_space<vmem>>) semaphore(%arg7 : memref<!tpu.dma_semaphore, #tpu.memory_space<semaphore_mem>>)
    %dma_wait3A_79 = arith.constant 1 : i32
    %dma_wait3A_80 = arith.constant 1 : i32
    %dma_wait3A_81 = arith.constant 0 : i32
    %dma_wait3A_82 = arith.constant 0 : i32
    %dma_wait3A_83 = tpu.memref_slice %arg6[%dma_wait3A_80, %dma_wait3A_81, %dma_wait3A_82] : memref<2x128x128xf32, #tpu.memory_space<vmem>> -> memref<1x128x128xf32, #tpu.memory_space<vmem>>
    %dma_wait3A_84 = tpu.memref_squeeze %dma_wait3A_83 : memref<1x128x128xf32, #tpu.memory_space<vmem>> -> memref<128x128xf32, #tpu.memory_space<vmem>>
    %dma_wait3A_85 = arith.constant 0 : i32
    %dma_wait3A_86 = tpu.memref_slice %arg5[%dma_wait3A_79, %dma_wait3A_85] : memref<4x128xi32, #tpu.memory_space<vmem>> -> memref<1x128xi32, #tpu.memory_space<vmem>>
    %dma_wait3A_87 = tpu.memref_squeeze %dma_wait3A_86 : memref<1x128xi32, #tpu.memory_space<vmem>> -> memref<128xi32, #tpu.memory_space<vmem>>
    %dma_wait3A_88 = arith.constant 0 : i32
    %dma_wait3A_89 = arith.constant 0 : i32
    %dma_wait3A_90 = tpu.memref_slice %arg2[%dma_wait3A_88, %dma_wait3A_89] : memref<100000x128xf32, #tpu.memory_space<hbm>> -> memref<100000x128xf32, #tpu.memory_space<hbm>>
    tpu.wait_indirect_dma semaphore(%arg8 : memref<!tpu.dma_semaphore, #tpu.memory_space<semaphore_mem>>) src(%dma_wait3A_90 : memref<100000x128xf32, #tpu.memory_space<hbm>>) dst(%dma_wait3A_84 : memref<128x128xf32, #tpu.memory_space<vmem>>)
    %add3A_91 = arith.constant 128 : i32
    %add3A_92 = arith.addi %mul3A_2, %add3A_91 : i32
    %dma_start3A_93 = arith.constant 1 : i32
    %dma_start3A_94 = arith.constant 0 : i32
    %dma_start3A_95 = arith.constant 0 : i32
    %dma_start3A_96 = tpu.memref_slice %arg6[%dma_start3A_93, %dma_start3A_94, %dma_start3A_95] : memref<2x128x128xf32, #tpu.memory_space<vmem>> -> memref<1x128x128xf32, #tpu.memory_space<vmem>>
    %dma_start3A_97 = tpu.memref_squeeze %dma_start3A_96 : memref<1x128x128xf32, #tpu.memory_space<vmem>> -> memref<128x128xf32, #tpu.memory_space<vmem>>
    %dma_start3A_98 = arith.constant 0 : i32
    %dma_start3A_99 = tpu.memref_slice %arg4[%add3A_92, %dma_start3A_98] : memref<16384x128xf32, #tpu.memory_space<hbm>> -> memref<128x128xf32, #tpu.memory_space<hbm>>
    %dma_start3A_100 = arith.constant 0 : i32
    %dma_start3A_101 = tpu.memref_slice %arg4[%add3A_92, %dma_start3A_100] : memref<16384x128xf32, #tpu.memory_space<hbm>> -> memref<128x128xf32, #tpu.memory_space<hbm>>
    %dma_start3A_102 = arith.constant 0 : i32
    %dma_start3A_103 = arith.constant 0 : i32
    %dma_start3A_104 = tpu.memref_slice %arg6[%dma_start3A_93, %dma_start3A_102, %dma_start3A_103] : memref<2x128x128xf32, #tpu.memory_space<vmem>> -> memref<1x128x128xf32, #tpu.memory_space<vmem>>
    %dma_start3A_105 = tpu.memref_squeeze %dma_start3A_104 : memref<1x128x128xf32, #tpu.memory_space<vmem>> -> memref<128x128xf32, #tpu.memory_space<vmem>>
    tpu.enqueue_dma source(%dma_start3A_105 : memref<128x128xf32, #tpu.memory_space<vmem>>) target(%dma_start3A_101 : memref<128x128xf32, #tpu.memory_space<hbm>>) target_semaphore(%arg10 : memref<!tpu.dma_semaphore, #tpu.memory_space<semaphore_mem>>)
    %dma_wait3A_106 = arith.constant 1 : i32
    %dma_wait3A_107 = arith.constant 0 : i32
    %dma_wait3A_108 = arith.constant 0 : i32
    %dma_wait3A_109 = tpu.memref_slice %arg6[%dma_wait3A_106, %dma_wait3A_107, %dma_wait3A_108] : memref<2x128x128xf32, #tpu.memory_space<vmem>> -> memref<1x128x128xf32, #tpu.memory_space<vmem>>
    %dma_wait3A_110 = tpu.memref_squeeze %dma_wait3A_109 : memref<1x128x128xf32, #tpu.memory_space<vmem>> -> memref<128x128xf32, #tpu.memory_space<vmem>>
    %dma_wait3A_111 = arith.constant 0 : i32
    %dma_wait3A_112 = tpu.memref_slice %arg4[%add3A_92, %dma_wait3A_111] : memref<16384x128xf32, #tpu.memory_space<hbm>> -> memref<128x128xf32, #tpu.memory_space<hbm>>
    %dma_wait3A_113 = arith.constant 0 : i32
    %dma_wait3A_114 = tpu.memref_slice %arg4[%add3A_92, %dma_wait3A_113] : memref<16384x128xf32, #tpu.memory_space<hbm>> -> memref<128x128xf32, #tpu.memory_space<hbm>>
    %dma_wait3A_115 = arith.constant 0 : i32
    %dma_wait3A_116 = arith.constant 0 : i32
    %dma_wait3A_117 = tpu.memref_slice %arg6[%dma_wait3A_106, %dma_wait3A_115, %dma_wait3A_116] : memref<2x128x128xf32, #tpu.memory_space<vmem>> -> memref<1x128x128xf32, #tpu.memory_space<vmem>>
    %dma_wait3A_118 = tpu.memref_squeeze %dma_wait3A_117 : memref<1x128x128xf32, #tpu.memory_space<vmem>> -> memref<128x128xf32, #tpu.memory_space<vmem>>
    tpu.wait_dma2 semaphore(%arg10 : memref<!tpu.dma_semaphore, #tpu.memory_space<semaphore_mem>>) src(%dma_wait3A_118 : memref<128x128xf32, #tpu.memory_space<vmem>>) dst(%dma_wait3A_114 : memref<128x128xf32, #tpu.memory_space<hbm>>)
    %dma_start3A_119 = arith.constant 3 : i32
    %dma_start3A_120 = arith.constant 1 : i32
    %dma_start3A_121 = arith.constant 0 : i32
    %dma_start3A_122 = arith.constant 0 : i32
    %dma_start3A_123 = tpu.memref_slice %arg6[%dma_start3A_120, %dma_start3A_121, %dma_start3A_122] : memref<2x128x128xf32, #tpu.memory_space<vmem>> -> memref<1x128x128xf32, #tpu.memory_space<vmem>>
    %dma_start3A_124 = tpu.memref_squeeze %dma_start3A_123 : memref<1x128x128xf32, #tpu.memory_space<vmem>> -> memref<128x128xf32, #tpu.memory_space<vmem>>
    %dma_start3A_125 = arith.constant 0 : i32
    %dma_start3A_126 = tpu.memref_slice %arg5[%dma_start3A_119, %dma_start3A_125] : memref<4x128xi32, #tpu.memory_space<vmem>> -> memref<1x128xi32, #tpu.memory_space<vmem>>
    %dma_start3A_127 = tpu.memref_squeeze %dma_start3A_126 : memref<1x128xi32, #tpu.memory_space<vmem>> -> memref<128xi32, #tpu.memory_space<vmem>>
    %dma_start3A_128 = arith.constant 0 : i32
    %dma_start3A_129 = arith.constant 0 : i32
    %dma_start3A_130 = tpu.memref_slice %arg2[%dma_start3A_128, %dma_start3A_129] : memref<100000x128xf32, #tpu.memory_space<hbm>> -> memref<100000x128xf32, #tpu.memory_space<hbm>>
    tpu.enqueue_indirect_dma source(%dma_start3A_130 : memref<100000x128xf32, #tpu.memory_space<hbm>>) target(%dma_start3A_124 : memref<128x128xf32, #tpu.memory_space<vmem>>) offsets(%dma_start3A_127 : memref<128xi32, #tpu.memory_space<vmem>>) semaphore(%arg8 : memref<!tpu.dma_semaphore, #tpu.memory_space<semaphore_mem>>)
    %dma_wait3A_131 = arith.constant 2 : i32
    %dma_wait3A_132 = arith.constant 0 : i32
    %dma_wait3A_133 = arith.constant 0 : i32
    %dma_wait3A_134 = arith.constant 0 : i32
    %dma_wait3A_135 = tpu.memref_slice %arg6[%dma_wait3A_132, %dma_wait3A_133, %dma_wait3A_134] : memref<2x128x128xf32, #tpu.memory_space<vmem>> -> memref<1x128x128xf32, #tpu.memory_space<vmem>>
    %dma_wait3A_136 = tpu.memref_squeeze %dma_wait3A_135 : memref<1x128x128xf32, #tpu.memory_space<vmem>> -> memref<128x128xf32, #tpu.memory_space<vmem>>
    %dma_wait3A_137 = arith.constant 0 : i32
    %dma_wait3A_138 = tpu.memref_slice %arg5[%dma_wait3A_131, %dma_wait3A_137] : memref<4x128xi32, #tpu.memory_space<vmem>> -> memref<1x128xi32, #tpu.memory_space<vmem>>
    %dma_wait3A_139 = tpu.memref_squeeze %dma_wait3A_138 : memref<1x128xi32, #tpu.memory_space<vmem>> -> memref<128xi32, #tpu.memory_space<vmem>>
    %dma_wait3A_140 = arith.constant 0 : i32
    %dma_wait3A_141 = arith.constant 0 : i32
    %dma_wait3A_142 = tpu.memref_slice %arg2[%dma_wait3A_140, %dma_wait3A_141] : memref<100000x128xf32, #tpu.memory_space<hbm>> -> memref<100000x128xf32, #tpu.memory_space<hbm>>
    tpu.wait_indirect_dma semaphore(%arg7 : memref<!tpu.dma_semaphore, #tpu.memory_space<semaphore_mem>>) src(%dma_wait3A_142 : memref<100000x128xf32, #tpu.memory_space<hbm>>) dst(%dma_wait3A_136 : memref<128x128xf32, #tpu.memory_space<vmem>>)
    %add3A_143 = arith.constant 256 : i32
    %add3A_144 = arith.addi %mul3A_2, %add3A_143 : i32
    %dma_start3A_145 = arith.constant 0 : i32
    %dma_start3A_146 = arith.constant 0 : i32
    %dma_start3A_147 = arith.constant 0 : i32
    %dma_start3A_148 = tpu.memref_slice %arg6[%dma_start3A_145, %dma_start3A_146, %dma_start3A_147] : memref<2x128x128xf32, #tpu.memory_space<vmem>> -> memref<1x128x128xf32, #tpu.memory_space<vmem>>
    %dma_start3A_149 = tpu.memref_squeeze %dma_start3A_148 : memref<1x128x128xf32, #tpu.memory_space<vmem>> -> memref<128x128xf32, #tpu.memory_space<vmem>>
    %dma_start3A_150 = arith.constant 0 : i32
    %dma_start3A_151 = tpu.memref_slice %arg4[%add3A_144, %dma_start3A_150] : memref<16384x128xf32, #tpu.memory_space<hbm>> -> memref<128x128xf32, #tpu.memory_space<hbm>>
    %dma_start3A_152 = arith.constant 0 : i32
    %dma_start3A_153 = tpu.memref_slice %arg4[%add3A_144, %dma_start3A_152] : memref<16384x128xf32, #tpu.memory_space<hbm>> -> memref<128x128xf32, #tpu.memory_space<hbm>>
    %dma_start3A_154 = arith.constant 0 : i32
    %dma_start3A_155 = arith.constant 0 : i32
    %dma_start3A_156 = tpu.memref_slice %arg6[%dma_start3A_145, %dma_start3A_154, %dma_start3A_155] : memref<2x128x128xf32, #tpu.memory_space<vmem>> -> memref<1x128x128xf32, #tpu.memory_space<vmem>>
    %dma_start3A_157 = tpu.memref_squeeze %dma_start3A_156 : memref<1x128x128xf32, #tpu.memory_space<vmem>> -> memref<128x128xf32, #tpu.memory_space<vmem>>
    tpu.enqueue_dma source(%dma_start3A_157 : memref<128x128xf32, #tpu.memory_space<vmem>>) target(%dma_start3A_153 : memref<128x128xf32, #tpu.memory_space<hbm>>) target_semaphore(%arg9 : memref<!tpu.dma_semaphore, #tpu.memory_space<semaphore_mem>>)
    %dma_wait3A_158 = arith.constant 3 : i32
    %dma_wait3A_159 = arith.constant 1 : i32
    %dma_wait3A_160 = arith.constant 0 : i32
    %dma_wait3A_161 = arith.constant 0 : i32
    %dma_wait3A_162 = tpu.memref_slice %arg6[%dma_wait3A_159, %dma_wait3A_160, %dma_wait3A_161] : memref<2x128x128xf32, #tpu.memory_space<vmem>> -> memref<1x128x128xf32, #tpu.memory_space<vmem>>
    %dma_wait3A_163 = tpu.memref_squeeze %dma_wait3A_162 : memref<1x128x128xf32, #tpu.memory_space<vmem>> -> memref<128x128xf32, #tpu.memory_space<vmem>>
    %dma_wait3A_164 = arith.constant 0 : i32
    %dma_wait3A_165 = tpu.memref_slice %arg5[%dma_wait3A_158, %dma_wait3A_164] : memref<4x128xi32, #tpu.memory_space<vmem>> -> memref<1x128xi32, #tpu.memory_space<vmem>>
    %dma_wait3A_166 = tpu.memref_squeeze %dma_wait3A_165 : memref<1x128xi32, #tpu.memory_space<vmem>> -> memref<128xi32, #tpu.memory_space<vmem>>
    %dma_wait3A_167 = arith.constant 0 : i32
    %dma_wait3A_168 = arith.constant 0 : i32
    %dma_wait3A_169 = tpu.memref_slice %arg2[%dma_wait3A_167, %dma_wait3A_168] : memref<100000x128xf32, #tpu.memory_space<hbm>> -> memref<100000x128xf32, #tpu.memory_space<hbm>>
    tpu.wait_indirect_dma semaphore(%arg8 : memref<!tpu.dma_semaphore, #tpu.memory_space<semaphore_mem>>) src(%dma_wait3A_169 : memref<100000x128xf32, #tpu.memory_space<hbm>>) dst(%dma_wait3A_163 : memref<128x128xf32, #tpu.memory_space<vmem>>)
    %add3A_170 = arith.constant 384 : i32
    %add3A_171 = arith.addi %mul3A_2, %add3A_170 : i32
    %dma_start3A_172 = arith.constant 1 : i32
    %dma_start3A_173 = arith.constant 0 : i32
    %dma_start3A_174 = arith.constant 0 : i32
    %dma_start3A_175 = tpu.memref_slice %arg6[%dma_start3A_172, %dma_start3A_173, %dma_start3A_174] : memref<2x128x128xf32, #tpu.memory_space<vmem>> -> memref<1x128x128xf32, #tpu.memory_space<vmem>>
    %dma_start3A_176 = tpu.memref_squeeze %dma_start3A_175 : memref<1x128x128xf32, #tpu.memory_space<vmem>> -> memref<128x128xf32, #tpu.memory_space<vmem>>
    %dma_start3A_177 = arith.constant 0 : i32
    %dma_start3A_178 = tpu.memref_slice %arg4[%add3A_171, %dma_start3A_177] : memref<16384x128xf32, #tpu.memory_space<hbm>> -> memref<128x128xf32, #tpu.memory_space<hbm>>
    %dma_start3A_179 = arith.constant 0 : i32
    %dma_start3A_180 = tpu.memref_slice %arg4[%add3A_171, %dma_start3A_179] : memref<16384x128xf32, #tpu.memory_space<hbm>> -> memref<128x128xf32, #tpu.memory_space<hbm>>
    %dma_start3A_181 = arith.constant 0 : i32
    %dma_start3A_182 = arith.constant 0 : i32
    %dma_start3A_183 = tpu.memref_slice %arg6[%dma_start3A_172, %dma_start3A_181, %dma_start3A_182] : memref<2x128x128xf32, #tpu.memory_space<vmem>> -> memref<1x128x128xf32, #tpu.memory_space<vmem>>
    %dma_start3A_184 = tpu.memref_squeeze %dma_start3A_183 : memref<1x128x128xf32, #tpu.memory_space<vmem>> -> memref<128x128xf32, #tpu.memory_space<vmem>>
    tpu.enqueue_dma source(%dma_start3A_184 : memref<128x128xf32, #tpu.memory_space<vmem>>) target(%dma_start3A_180 : memref<128x128xf32, #tpu.memory_space<hbm>>) target_semaphore(%arg10 : memref<!tpu.dma_semaphore, #tpu.memory_space<semaphore_mem>>)
    %dma_wait3A_185 = arith.constant 0 : i32
    %dma_wait3A_186 = arith.constant 0 : i32
    %dma_wait3A_187 = arith.constant 0 : i32
    %dma_wait3A_188 = tpu.memref_slice %arg6[%dma_wait3A_185, %dma_wait3A_186, %dma_wait3A_187] : memref<2x128x128xf32, #tpu.memory_space<vmem>> -> memref<1x128x128xf32, #tpu.memory_space<vmem>>
    %dma_wait3A_189 = tpu.memref_squeeze %dma_wait3A_188 : memref<1x128x128xf32, #tpu.memory_space<vmem>> -> memref<128x128xf32, #tpu.memory_space<vmem>>
    %dma_wait3A_190 = arith.constant 0 : i32
    %dma_wait3A_191 = tpu.memref_slice %arg4[%add3A_144, %dma_wait3A_190] : memref<16384x128xf32, #tpu.memory_space<hbm>> -> memref<128x128xf32, #tpu.memory_space<hbm>>
    %dma_wait3A_192 = arith.constant 0 : i32
    %dma_wait3A_193 = tpu.memref_slice %arg4[%add3A_144, %dma_wait3A_192] : memref<16384x128xf32, #tpu.memory_space<hbm>> -> memref<128x128xf32, #tpu.memory_space<hbm>>
    %dma_wait3A_194 = arith.constant 0 : i32
    %dma_wait3A_195 = arith.constant 0 : i32
    %dma_wait3A_196 = tpu.memref_slice %arg6[%dma_wait3A_185, %dma_wait3A_194, %dma_wait3A_195] : memref<2x128x128xf32, #tpu.memory_space<vmem>> -> memref<1x128x128xf32, #tpu.memory_space<vmem>>
    %dma_wait3A_197 = tpu.memref_squeeze %dma_wait3A_196 : memref<1x128x128xf32, #tpu.memory_space<vmem>> -> memref<128x128xf32, #tpu.memory_space<vmem>>
    tpu.wait_dma2 semaphore(%arg9 : memref<!tpu.dma_semaphore, #tpu.memory_space<semaphore_mem>>) src(%dma_wait3A_197 : memref<128x128xf32, #tpu.memory_space<vmem>>) dst(%dma_wait3A_193 : memref<128x128xf32, #tpu.memory_space<hbm>>)
    %dma_wait3A_198 = arith.constant 1 : i32
    %dma_wait3A_199 = arith.constant 0 : i32
    %dma_wait3A_200 = arith.constant 0 : i32
    %dma_wait3A_201 = tpu.memref_slice %arg6[%dma_wait3A_198, %dma_wait3A_199, %dma_wait3A_200] : memref<2x128x128xf32, #tpu.memory_space<vmem>> -> memref<1x128x128xf32, #tpu.memory_space<vmem>>
    %dma_wait3A_202 = tpu.memref_squeeze %dma_wait3A_201 : memref<1x128x128xf32, #tpu.memory_space<vmem>> -> memref<128x128xf32, #tpu.memory_space<vmem>>
    %dma_wait3A_203 = arith.constant 0 : i32
    %dma_wait3A_204 = tpu.memref_slice %arg4[%add3A_171, %dma_wait3A_203] : memref<16384x128xf32, #tpu.memory_space<hbm>> -> memref<128x128xf32, #tpu.memory_space<hbm>>
    %dma_wait3A_205 = arith.constant 0 : i32
    %dma_wait3A_206 = tpu.memref_slice %arg4[%add3A_171, %dma_wait3A_205] : memref<16384x128xf32, #tpu.memory_space<hbm>> -> memref<128x128xf32, #tpu.memory_space<hbm>>
    %dma_wait3A_207 = arith.constant 0 : i32
    %dma_wait3A_208 = arith.constant 0 : i32
    %dma_wait3A_209 = tpu.memref_slice %arg6[%dma_wait3A_198, %dma_wait3A_207, %dma_wait3A_208] : memref<2x128x128xf32, #tpu.memory_space<vmem>> -> memref<1x128x128xf32, #tpu.memory_space<vmem>>
    %dma_wait3A_210 = tpu.memref_squeeze %dma_wait3A_209 : memref<1x128x128xf32, #tpu.memory_space<vmem>> -> memref<128x128xf32, #tpu.memory_space<vmem>>
    tpu.wait_dma2 semaphore(%arg10 : memref<!tpu.dma_semaphore, #tpu.memory_space<semaphore_mem>>) src(%dma_wait3A_210 : memref<128x128xf32, #tpu.memory_space<vmem>>) dst(%dma_wait3A_206 : memref<128x128xf32, #tpu.memory_space<hbm>>)
    return
  }
}

</mosaic_0001>

<sc_bundles>
// kernel: _sc_gather_c.3.cloned.1.call-start
scs
__scs_entry_jumppad:
0x0: {  	(pc) =	sbr.rel $0x88, $3  }
0x1: {  	(tag) =	ssettag $0x0;
	lr =	simm.s32 $0x1  }
0x2: {  	[smem:$0x3F9F] =	sst lr;
	_ =	strace $0xD0000000  }
0x3: {  	_ = 	snop  }
0x4: {  	_ = 	snop  }
0x5: {  	_ = 	snop  }
0x6: {  	_ = 	snop  }
0x7: {  	_ = 	snop  }
__scs_overlays_trampoline_lowered:
0x8: {  	[smem:$0x3FAE] =	sst s0  }
0x9: {  	[smem:$0x3FAF] =	sst s1  }
0xa: {  	[smem:$0x3FB0] =	sst s2  }
0xb: {  	[smem:$0x3FB1] =	sst s3  }
0xc: {  	[smem:$0x3FB2] =	sst s4  }
0xd: {  	[smem:$0x3FB3] =	sst s5  }
0xe: {  	[smem:$0x3FB4] =	sst s6  }
0xf: {  	[smem:$0x3FB5] =	sst s7  }
0x10: {  	[smem:$0x3FB6] =	sst s8  }
0x11: {  	[smem:$0x3FB7] =	sst s9;
	s0 =	simm.s32 @!p0 $0x0  }
0x12: {  	s1 =	sld [smem:$0x3F9D];
	s0 =	simm.s32 @p0 $0x1  }
0x13: {  	[smem:$0x3FB8] =	sst s0;
	s0 =	simm.s32 @!p1 $0x0  }
0x14: {  	s2 =	sld [smem:$0x3F9C];
	s0 =	simm.s32 @p1 $0x1  }
0x15: {  	[smem:$0x3FB9] =	sst s0;
	s0 =	simm.s32 @!p2 $0x0  }
0x16: {  	s3 =	sld [smem:$0x3FDB];
	s0 =	simm.s32 @p2 $0x1  }
0x17: {  	s4 =	simm.s32 $0x1BF5;
	[smem:$0x3FBB] =	sst s0  }
0x18: {  	s0 =	sld [smem:$0x3F9E];
	_ =	swait.ge [sflag:s4], $0x0  }
0x19: {  	s7 =	sld [smem:$0x3F9F]  }
0x1a: {  	s8 =	sadd.s32 $0xFFFFE003, lr  }
0x1b: {  	s9 =	sadd.s32 $0xFFFFFEF7, lr;
	s5 =	simm.s32 $0xFFFFFFFF;
	p2 =	slt.u32 s8, $0xFFFFF086  }
0x1c: {  	p1 =	slt.u32 s9, $0xF7A;
	s5 =	simm.s32 @!p2 $0x0  }
0x1d: {  	s5 =	simm.s32 @p1 $0x1;
	p0 =	seq.s32 s7, s2  }
0x1e: {  	s7 =	smul.u32 @!p0 $0xF7A, s2;
	p2 =	seq.s32 @!p0 s5, $0x0  }
0x1f: {  	s9 =	smul.u32 $0xF7A, s1;
	s8 =	simm.s32 @!p0 $0x1BF5;
	p2 =	por !p2, p0  }
0x20: {  	[sflag:s8] =	ssyncset.s32 @!p0 $0xFFFFF086;
	s6 =	sadd.s32 @!p0 s3, s7;
	s7 =	simm.s32 @!p0 $0x108  }
0x21: {  	s3 =	sadd.s32 s3, s9;
	s6 =	sadd.s32 @!p0 $0x88, s6;
	s7 =	simm.s32 @p2 $0x1082  }
0x22: {  	[simem:s7], [sflag:s8] =	dma.local @!p0 [hbm:s6], $0xF7A  }
0x23: {  	s9 =	sor.u32 $0xD0000000, s2;
	s6 =	simm.s32 $0x108;
	_ =	swait.ge @!p0 [sflag:s8], $0x0  }
0x24: {  	s3 =	sadd.s32 $0x88, s3;
	s6 =	simm.s32 @!p1 $0x1082;
	[sflag:s4] =	ssyncset.s32 $0xFFFFF086  }
0x25: {  	[simem:s6], [sflag:s4] =	dma.local [hbm:s3], $0xF7A  }
0x26: {  	[smem:$0x3F9F] =	sst s1;
	(tag) =	ssettag s2;
	_ =	strace s9  }
0x27: {  	s1 =	sld [smem:$0x3FAF]  }
0x28: {  	s2 =	sld [smem:$0x3FB0]  }
0x29: {  	s4 =	sld [smem:$0x3FB2]  }
0x2a: {  	p0 =	seq.s32 s5, $0x0;
	s5 =	sld [smem:$0x3FB3]  }
0x2b: {  	s6 =	sld [smem:$0x3FB4]  }
0x2c: {  	s7 =	sld [smem:$0x3FB5]  }
0x2d: {  	s3 =	simm.s32 $0x108;
	s8 =	sld [smem:$0x3FB6]  }
0x2e: {  	s3 =	simm.s32 @!p0 $0x1082;
	s9 =	sld [smem:$0x3FB7]  }
0x2f: {  	lr =	sadd.s32 s0, s3;
	s0 =	sld [smem:$0x3FAE]  }
0x30: {  	s3 =	sld [smem:$0x3FB1]  }
0x31: {  	[smem:$0x3FBA] =	sst s10  }
0x32: {  	s10 =	sld [smem:$0x3FB8];
	_ =	sdelay $0x3  }
0x33: {  	p0 =	seq.s32 s10, $0x1;
	s10 =	sld [smem:$0x3FBA];
	_ =	sdelay $0x3  }
0x34: {  	[smem:$0x3FBA] =	sst s10  }
0x35: {  	s10 =	sld [smem:$0x3FB9];
	_ =	sdelay $0x3  }
0x36: {  	p1 =	seq.s32 s10, $0x1;
	s10 =	sld [smem:$0x3FBA];
	_ =	sdelay $0x3  }
0x37: {  	[smem:$0x3FBA] =	sst s10  }
0x38: {  	s10 =	sld [smem:$0x3FBB]  }
0x39: {  	_ = 	snop;
	(pc) =	sbr.ind lr, $3  }
0x3a: {  	_ = 	snop  }
0x3b: {  	_ = 	snop  }
0x3c: {  	p2 =	seq.s32 s10, $0x1;
	s10 =	sld [smem:$0x3FBA]  }
0x3d: {  	_ =	shalt  }
0x3e: {  	_ =	shalt  }
0x3f: {  	_ =	shalt  }
0x40: {  	_ =	shalt  }
0x41: {  	_ =	shalt  }
0x42: {  	_ =	shalt  }
0x43: {  	_ =	shalt  }
0x44: {  	_ =	shalt  }
0x45: {  	_ =	shalt  }
0x46: {  	_ =	shalt  }
0x47: {  	_ =	shalt  }
0x48: {  	_ =	shalt  }
0x49: {  	_ =	shalt  }
0x4a: {  	_ =	shalt  }
0x4b: {  	_ =	shalt  }
0x4c: {  	_ =	shalt  }
0x4d: {  	_ =	shalt  }
0x4e: {  	_ =	shalt  }
0x4f: {  	_ =	shalt  }
0x50: {  	_ =	shalt  }
0x51: {  	_ =	shalt  }
0x52: {  	_ =	shalt  }
0x53: {  	_ =	shalt  }
0x54: {  	_ =	shalt  }
0x55: {  	_ =	shalt  }
0x56: {  	_ =	shalt  }
0x57: {  	_ =	shalt  }
0x58: {  	_ =	shalt  }
0x59: {  	_ =	shalt  }
0x5a: {  	_ =	shalt  }
0x5b: {  	_ =	shalt  }
0x5c: {  	_ =	shalt  }
0x5d: {  	_ =	shalt  }
0x5e: {  	_ =	shalt  }
0x5f: {  	_ =	shalt  }
0x60: {  	_ =	shalt  }
0x61: {  	_ =	shalt  }
0x62: {  	_ =	shalt  }
0x63: {  	_ =	shalt  }
0x64: {  	_ =	shalt  }
0x65: {  	_ =	shalt  }
0x66: {  	_ =	shalt  }
0x67: {  	_ =	shalt  }
0x68: {  	_ =	shalt  }
0x69: {  	_ =	shalt  }
0x6a: {  	_ =	shalt  }
0x6b: {  	_ =	shalt  }
0x6c: {  	_ =	shalt  }
0x6d: {  	_ =	shalt  }
0x6e: {  	_ =	shalt  }
0x6f: {  	_ =	shalt  }
0x70: {  	_ =	shalt  }
0x71: {  	_ =	shalt  }
0x72: {  	_ =	shalt  }
0x73: {  	_ =	shalt  }
0x74: {  	_ =	shalt  }
0x75: {  	_ =	shalt  }
0x76: {  	_ =	shalt  }
0x77: {  	_ =	shalt  }
0x78: {  	_ =	shalt  }
0x79: {  	_ =	shalt  }
0x7a: {  	_ =	shalt  }
0x7b: {  	_ =	shalt  }
0x7c: {  	_ =	shalt  }
0x7d: {  	_ =	shalt  }
0x7e: {  	_ =	shalt  }
0x7f: {  	_ =	shalt  }
0x80: {  	_ =	shalt  }
0x81: {  	_ =	shalt  }
0x82: {  	_ =	shalt  }
0x83: {  	_ =	shalt  }
0x84: {  	_ =	shalt  }
0x85: {  	_ =	shalt  }
0x86: {  	_ =	shalt  }
0x87: {  	_ =	shalt  }
.Lfunc_end0:
.L_simem_size_0:
called_computation_lowered:
.L_overlay_start_0:
0x88: {  	s2 =	sld [smem:$0x3FD9]  }
0x89: {  	s3 =	sld [smem:$0x3FFE];
	_ =	sdelay $0x1  }
0x8a: {  	s1 =	srdreg.scid  }
0x8b: {  	s0 =	sand.u32 $0x1, s1  }
0x8c: {  	s18 =	sshll.u32 s0, $0xA;
	s2 =	sadd.s32 s3, s2  }
0x8d: {  	s2 =	sadd.s32 s2, s18  }
0x8e: {  	[smem:$0x3FC6] =	sst s2  }
0x8f: {  	_ = 	snop  }
0x90: {  	s2 =	sld [smem:$0x3FC9]  }
0x91: {  	s19 =	sld [smem:$0x3FC8]  }
0x92: {  	s4 =	sld [smem:$0x3FD0];
	(tm) =	ssettm $0x1  }
0x93: {  	s5 =	sld [smem:$0x3FFB];
	_ =	sdelay $0x3  }
0x94: {  	_ =	strace s5  }
0x95: {  	s5 =	sld [smem:$0x3FFC];
	_ =	sdelay $0x3  }
0x96: {  	_ =	strace s5  }
0x97: {  	s5 =	sld [smem:$0x3FFD];
	_ =	sdelay $0x3  }
0x98: {  	_ =	strace s5  }
0x99: {  	_ =	strace $0x8FFFFFFF  }
0x9a: {  	s20 =	sld [smem:$0x3FDB];
	_ =	sdelay $0x1  }
0x9b: {  	s6 =	simm.s32 $_scs_section_size  }
0x9c: {  	s7 =	simm.s32 $_size__tile_overlayer_lowered;
	s8 =	simm.s32 $_tile_overlayer_lowered  }
0x9d: {  	s23 =	simm.s32 $0x1BFF;
	s22 =	sshll.u32 s8, $0x1;
	s5 =	sadd.s32 s6, s20  }
0x9e: {  	s9 =	simm.s32 $0x0;
	s21 =	sshll.u32 s7, $0x1;
	s7 =	sadd.s32 s22, s5  }
0x9f: {  	[timem:s9], [sflag:s23] =	dma.local [hbm:s7], s21  }
0xa0: {  	_ =	swait.ge [sflag:s23], s21  }
0xa1: {  	s6 =	ssub.s32 $0x0, s21;
	[sflag:s23] =	ssyncset.done $0x0  }
0xa2: {  	[sflag:s23] =	ssyncadd.s32 s6;
	_ =	sdelay $0x1  }
0xa3: {  	s24 =	simm.s32 $0x1B8B  }
0xa4: {  	_ =	swait.ge [sflag:s24], $0x1  }
0xa5: {  	[sflag:s24] =	ssyncset.done $0x0  }
0xa6: {  	s25 =	simm.s32 $0x1B8E;
	[sflag:s24] =	ssyncadd.s32 $0xFFFFFFFF  }
0xa7: {  	s26 =	simm.s32 $execute0_lowered;
	[smem:$0x3FD2] =	sst s25  }
0xa8: {  	s6 =	sshll.u32 s26, $0x1;
	_ =	strace $0x80000046;
	[dreg:$0x1] =	wrdreg $0xFFFFFFFF  }
0xa9: {  	s28 =	simm.s32 $_size_execute0_lowered;
	s5 =	sadd.s32 s5, s6;
	[dreg:$0x0] =	wrdreg $0x0  }
0xaa: {  	s6 =	sshll.u32 s28, $0x1;
	[dreg:$0x2] =	wrdreg s5  }
0xab: {  	[dreg:$0x3] =	wrdreg s6  }
0xac: {  	[dreg:$0x4] =	wrdreg $0xC0  }
0xad: {  	_ =	task [dreg:s9], $0x5FFFF  }
0xae: {  	[dreg:$0x1] =	wrdreg $0xFFFFFFFF  }
0xaf: {  	[dreg:$0x0] =	wrdreg $0x60  }
0xb0: {  	[dreg:$0x2] =	wrdreg s2  }
0xb1: {  	[dreg:$0x3] =	wrdreg s19  }
0xb2: {  	[dreg:$0x4] =	wrdreg s4  }
0xb3: {  	[dreg:$0x5] =	wrdreg $0x9  }
0xb4: {  	_ =	task.clear_ibuf [dreg:s9], $0x6FFFF;
	_ =	strace $0x90000046  }
0xb5: {  	s29 =	simm.s32 $0x9;
	_ =	strace $0x80000048  }
0xb6: {  	_ =	swait.ge [sflag:s29], $0x1  }
0xb7: {  	[sflag:s29] =	ssyncadd.s32 $0xFFFFFFFF  }
0xb8: {  	_ =	strace $0x90000048  }
0xb9: {  	_ =	sfence  }
0xba: {  	s30 =	sld [smem:$0x0];
	_ =	sdelay $0x2  }
0xbb: {  	s31 =	sshll.u32 s1, $0xD;
	s1 =	sshrl.u32 s1, $0x2  }
0xbc: {  	s3 =	sand.u32 $0x4000, s31;
	s1 =	sadd.s32 s1, s30  }
0xbd: {  	s0 =	sor.u32 s3, s0;
	s1 =	sshll.u32 s1, $0x11  }
0xbe: {  	s0 =	sor.u32 s1, s0  }
0xbf: {  	s0 =	sadd.s32 $0x8F2B, s0  }
0xc0: {  	[sflag:s0] =	ssyncadd.remote.s32 $0x1  }
0xc1: {  	_ =	sfence.sel $0xFFFF  }
0xc2: {  	[dreg:$0x0] =	wrdreg $0xFFFFFFFF;
	(pc) =	sbr.abs _section_cstart, $3  }
0xc3: {  	[dreg:$0x1] =	wrdreg $0xFFFFFFFF  }
0xc4: {  	_ =	task.clear_ibuf [dreg:s9], $0x2FFFF;
	_ =	strace $0x9FFFFFFF  }
0xc5: {  	(tm) =	ssettm $0x7FFFFFFF  }
tec
execute0_lowered:
.L_overlay_start_1:
0x0: {  	(tag) =	ssettag $0x1  }
0x1: {  	s2 =	rddreg [dreg:$0x0]  }
0x2: {  	s4 =	rddreg [dreg:$0x1]  }
0x3: {  	s1 =	srdreg.scid;
	s0 =	stileid.u32  }
0x4: {  	s10 =	rddreg [dreg:$0x2];
	s18 =	sand.u32 $0x1, s1;
	s5 =	sshll.u32 s0, $0x1  }
0x5: {  	s3 =	simm.s32 $0x0;
	s1 =	rddreg [dreg:$0x3];
	s11 =	sor.u32 s18, s5  }
0x6: {  	[smem:$0x7FF] =	sst s3;
	s5 =	sshll.u32 s11, $0x6  }
0x7: {  	_ =	strace $0x80000047;
	s4 =	sadd.s32 s4, s5;
	s5 =	simm.s32 $0x5  }
0x8: {  	[tilespmem:s3], [sflag:$0x5] =	stream.linear.gather [hbm4b:s4+s3], $0x200, $0x38;
	[tilespmem:$0x8200] =	vst v63  }
0x9: {  	_ =	swait.ge [sflag:s5], $0x200  }
0xa: {  	[sflag:s5] =	ssyncset.done $0x0  }
0xb: {  	s6 =	simm.s32 $0x80;
	s7 =	simm.s32 $0x200;
	[sflag:s5] =	ssyncadd.s32 $0xFFFFFE00  }
0xc: {  	[tilespmem:s7], [sflag:$0x1] =	stream.indirect.gather [hbm4b:s2+s6], $0x80, s3, s6, $0xb8;
	[tilespmem:$0x8200] =	vst v63  }
0xd: {  	s8 =	simm.s32 $0x4200;
	s9 =	simm.s32 $0x1  }
0xe: {  	[tilespmem:s8], [sflag:$0x2] =	stream.indirect.gather [hbm4b:s2+s6], $0x80, s6, s6, $0xb8;
	[tilespmem:$0x8200] =	vst v63  }
0xf: {  	_ =	swait.ge [sflag:s9], $0x4000  }
0x10: {  	s11 =	sshll.u32 s11, $0xD;
	[sflag:s9] =	ssyncset.done $0x0  }
0x11: {  	s10 =	sadd.s32 s10, s11;
	s11 =	simm.s32 $0x3;
	[sflag:s9] =	ssyncadd.s32 $0xFFFFC000  }
0x12: {  	[hbm4b:s10+s3] =	stream.linear.scatter [tilespmem:s7], [sflag:$0x3], $0x4000, $0x38;
	[tilespmem:$0x8200] =	vst v63  }
0x13: {  	_ =	swait.ge [sflag:s11], $0x4000  }
0x14: {  	[sflag:s11] =	ssyncset.done $0x0  }
0x15: {  	s12 =	simm.s32 $0x100;
	s13 =	simm.s32 $0x2;
	[sflag:s11] =	ssyncadd.s32 $0xFFFFC000  }
0x16: {  	[tilespmem:s7], [sflag:$0x1] =	stream.indirect.gather [hbm4b:s2+s6], $0x80, s12, s6, $0xb8;
	[tilespmem:$0x8200] =	vst v63  }
0x17: {  	_ =	swait.ge [sflag:s13], $0x4000  }
0x18: {  	[sflag:s13] =	ssyncset.done $0x0  }
0x19: {  	s14 =	simm.s32 $0x4;
	s15 =	sadd.s32 $0x800, s10;
	[sflag:s13] =	ssyncadd.s32 $0xFFFFC000  }
0x1a: {  	[hbm4b:s15+s3] =	stream.linear.scatter [tilespmem:s8], [sflag:$0x4], $0x4000, $0x38;
	[tilespmem:$0x8200] =	vst v63  }
0x1b: {  	_ =	swait.ge [sflag:s14], $0x4000  }
0x1c: {  	[sflag:s14] =	ssyncset.done $0x0  }
0x1d: {  	s16 =	simm.s32 $0x180;
	[sflag:s14] =	ssyncadd.s32 $0xFFFFC000  }
0x1e: {  	[tilespmem:s8], [sflag:$0x2] =	stream.indirect.gather [hbm4b:s2+s6], $0x80, s16, s6, $0xb8;
	[tilespmem:$0x8200] =	vst v63  }
0x1f: {  	_ =	swait.ge [sflag:s9], $0x4000  }
0x20: {  	s19 =	ssub.s32 $0x2, s18;
	[sflag:s9] =	ssyncset.done $0x0  }
0x21: {  	s20 =	sshrl.u32 s19, $0x1;
	s17 =	sadd.s32 $0x1000, s10;
	[sflag:s9] =	ssyncadd.s32 $0xFFFFC000  }
0x22: {  	[hbm4b:s17+s3] =	stream.linear.scatter [tilespmem:s7], [sflag:$0x3], $0x4000, $0x38;
	[tilespmem:$0x8200] =	vst v63  }
0x23: {  	s19 =	ssub.s32 s19, s20;
	_ =	swait.ge [sflag:s13], $0x4000  }
0x24: {  	s19 =	smax.u32 s19, $0x1;
	[sflag:s13] =	ssyncset.done $0x0  }
0x25: {  	s18 =	sadd.s32 $0x1800, s10;
	p0 =	sne.s32 s19, $0x1;
	[sflag:s13] =	ssyncadd.s32 $0xFFFFC000  }
0x26: {  	[hbm4b:s18+s3] =	stream.linear.scatter [tilespmem:s8], [sflag:$0x4], $0x4000, $0x38;
	[tilespmem:$0x8200] =	vst v63  }
.Ltmp0:
0x27: {  	_ =	swait.ge [sflag:s11], $0x4000;
	(pc) =	sbr.rel @!p0 .LBB2_2-.Ltmp0, $4  }
0x28: {  	[sflag:s11] =	ssyncset.done $0x0  }
0x29: {  	[sflag:s11] =	ssyncadd.s32 $0xFFFFC000  }
0x2a: {  	_ =	swait.ge [sflag:s14], $0x4000  }
0x2b: {  	s19 =	sadd.s32 $0xFFFFFFFF, s19;
	[sflag:s14] =	ssyncset.done $0x0  }
.LBB2_1:
0x2c: {  	p0 =	sne.s32 s19, $0x1;
	s19 =	sadd.s32 $0xFFFFFFFF, s19;
	[sflag:s14] =	ssyncadd.s32 $0xFFFFC000  }
0x2d: {  	[tilespmem:s3], [sflag:$0x5] =	stream.linear.gather [hbm4b:s4+s3], $0x200, $0x38;
	[tilespmem:$0x8200] =	vst v63  }
0x2e: {  	_ =	swait.ge [sflag:s5], $0x200  }
0x2f: {  	[sflag:s5] =	ssyncset.done $0x0  }
0x30: {  	[sflag:s5] =	ssyncadd.s32 $0xFFFFFE00  }
0x31: {  	[tilespmem:s7], [sflag:$0x1] =	stream.indirect.gather [hbm4b:s2+s6], $0x80, s3, s6, $0xb8;
	[tilespmem:$0x8200] =	vst v63  }
0x32: {  	_ = 	snop  }
0x33: {  	[tilespmem:s8], [sflag:$0x2] =	stream.indirect.gather [hbm4b:s2+s6], $0x80, s6, s6, $0xb8;
	[tilespmem:$0x8200] =	vst v63  }
0x34: {  	_ =	swait.ge [sflag:s9], $0x4000  }
0x35: {  	[sflag:s9] =	ssyncset.done $0x0  }
0x36: {  	[sflag:s9] =	ssyncadd.s32 $0xFFFFC000  }
0x37: {  	[hbm4b:s10+s3] =	stream.linear.scatter [tilespmem:s7], [sflag:$0x3], $0x4000, $0x38;
	[tilespmem:$0x8200] =	vst v63  }
0x38: {  	_ =	swait.ge [sflag:s11], $0x4000  }
0x39: {  	[sflag:s11] =	ssyncset.done $0x0  }
0x3a: {  	[sflag:s11] =	ssyncadd.s32 $0xFFFFC000  }
0x3b: {  	[tilespmem:s7], [sflag:$0x1] =	stream.indirect.gather [hbm4b:s2+s6], $0x80, s12, s6, $0xb8;
	[tilespmem:$0x8200] =	vst v63  }
0x3c: {  	_ =	swait.ge [sflag:s13], $0x4000  }
0x3d: {  	[sflag:s13] =	ssyncset.done $0x0  }
0x3e: {  	[sflag:s13] =	ssyncadd.s32 $0xFFFFC000  }
0x3f: {  	[hbm4b:s15+s3] =	stream.linear.scatter [tilespmem:s8], [sflag:$0x4], $0x4000, $0x38;
	[tilespmem:$0x8200] =	vst v63  }
0x40: {  	_ =	swait.ge [sflag:s14], $0x4000  }
0x41: {  	[sflag:s14] =	ssyncset.done $0x0  }
0x42: {  	[sflag:s14] =	ssyncadd.s32 $0xFFFFC000  }
0x43: {  	[tilespmem:s8], [sflag:$0x2] =	stream.indirect.gather [hbm4b:s2+s6], $0x80, s16, s6, $0xb8;
	[tilespmem:$0x8200] =	vst v63  }
0x44: {  	_ =	swait.ge [sflag:s9], $0x4000  }
0x45: {  	[sflag:s9] =	ssyncset.done $0x0  }
0x46: {  	[sflag:s9] =	ssyncadd.s32 $0xFFFFC000  }
0x47: {  	[hbm4b:s17+s3] =	stream.linear.scatter [tilespmem:s7], [sflag:$0x3], $0x4000, $0x38;
	[tilespmem:$0x8200] =	vst v63  }
0x48: {  	_ =	swait.ge [sflag:s13], $0x4000  }
0x49: {  	[sflag:s13] =	ssyncset.done $0x0  }
0x4a: {  	[sflag:s13] =	ssyncadd.s32 $0xFFFFC000  }
0x4b: {  	[hbm4b:s18+s3] =	stream.linear.scatter [tilespmem:s8], [sflag:$0x4], $0x4000, $0x38;
	[tilespmem:$0x8200] =	vst v63  }
.Ltmp1:
0x4c: {  	_ =	swait.ge [sflag:s11], $0x4000;
	(pc) =	sbr.rel @p0 .LBB2_1-.Ltmp1, $4  }
0x4d: {  	[sflag:s11] =	ssyncset.done $0x0  }
0x4e: {  	[sflag:s11] =	ssyncadd.s32 $0xFFFFC000  }
0x4f: {  	_ =	swait.ge [sflag:s14], $0x4000  }
0x50: {  	[sflag:s14] =	ssyncset.done $0x0  }
.LBB2_2:
0x51: {  	[sflag:s14] =	ssyncadd.s32 $0xFFFFC000  }
0x52: {  	_ =	sfence.sel $0x180000  }
0x53: {  	[bflag:$0x0] =	sbarrier.arrive $0xFFFF  }
0x54: {  	p0 =	sne.s32 s0, $0x0;
	_ =	strace $0x90000047  }
0x55: {  	s0 =	sadd.s32 @!p0 $0x100000, s1;
	[bflag:$0x2] =	sbarrier.arrive $0xFFFF  }
0x56: {  	[sflag:s0] =	ssyncadd.tile.s32 @!p0 $0x1;
	_ =	shalt  }
.Lfunc_end2:
_tile_overlayer_lowered:
.L_overlay_start_2:
0x57: {  	(tag) =	ssettag $0x2  }
0x58: {  	s0 =	rddreg [dreg:$0x0];
	s2 =	stileid.u32  }
0x59: {  	s1 =	rddreg [dreg:$0x1];
	p0 =	sne.s32 s2, $0x0  }
0x5a: {  	s3 =	rddreg [dreg:$0x2];
	[bflag:$0x3] =	sbarrier.arrive $0xFFFF;
	s2 =	simm.s32 @!p0 $0x1C05  }
0x5b: {  	[timem:s3], [sflag:s2] =	dma.local @!p0 [hbm:s0], s1  }
0x5c: {  	s0 =	simm.s32 @!p0 $0x5  }
0x5d: {  	_ =	swait.ge @!p0 [sflag:s0], s1  }
0x5e: {  	s1 =	ssub.s32 @!p0 $0x0, s1;
	[sflag:s0] =	ssyncset.done @!p0 $0x0  }
0x5f: {  	[sflag:s0] =	ssyncadd.s32 @!p0 s1  }
0x60: {  	[bflag:$0x3] =	sbarrier.arrive $0xFFFF  }
0x61: {  	_ =	shalt  }

</sc_bundles>
